<compile_context>
chip_gen: v7x
topology: tpu7x:2x2x1
jax: 0.10.2.dev20260603
libtpu: 0.0.44.dev20260713+nightly
codegen_flags: <defaults>
</compile_context>

<pallas_src>
import functools

import jax
import jax.numpy as jnp
from jax import lax
from jax.experimental import pallas as pl
from jax.experimental.pallas import tpu as pltpu
from jax.experimental.pallas import tpu_sc as plsc

_B, _C = 16384, 1000
_LAMB = max(5.0, 1500.0 / 1.01)
_C1 = _LAMB / (1.0 + _LAMB)
_C2 = 1.0 / (1.0 + _LAMB)

_NC, _NS, _L = 2, 16, 16
_NW = _NC * _NS
_BPW = _B // _NW
_CHC = 128

_BC = 2048
_GRID = _B // _BC


def _sc_gather_phi(xp, target):
    mesh = plsc.VectorSubcoreMesh(core_axis_name="c", subcore_axis_name="s")

    @functools.partial(
        pl.kernel,
        mesh=mesh,
        out_type=jax.ShapeDtypeStruct((_B,), jnp.float32),
        scratch_types=[
            pltpu.VMEM((_BPW,), jnp.int32),
            pltpu.VMEM((_C, _CHC), jnp.float32),
            pltpu.VMEM((_BPW,), jnp.float32),
            pltpu.SemaphoreType.DMA,
        ],
        compiler_params=pltpu.CompilerParams(
            use_tc_tiling_on_sc=True, needs_layout_passes=False
        ),
    )
    def k(xp_hbm, tgt_hbm, out_hbm, tgt_v, chunk_v, phi_v, sem):
        wid = lax.axis_index("s") * _NC + lax.axis_index("c")
        base = wid * _BPW
        pltpu.sync_copy(tgt_hbm.at[pl.ds(base, _BPW)], tgt_v)

        def body(j, carry):
            c0 = j * _CHC
            pltpu.sync_copy(xp_hbm.at[:, pl.ds(base + c0, _CHC)], chunk_v)
            for sub in range(_CHC // _L):
                o = sub * _L
                ccols = o + lax.iota(jnp.int32, _L)
                rows = tgt_v[pl.ds(c0 + o, _L)]
                vals = plsc.load_gather(chunk_v, [rows, ccols])
                phi_v[pl.ds(c0 + o, _L)] = vals
            return carry

        lax.fori_loop(0, _BPW // _CHC, body, 0)
        pltpu.sync_copy(phi_v, out_hbm.at[pl.ds(base, _BPW)])

    return k(xp, target)


def _stats_body(x_ref, t_ref, m_ref, s_ref, c_ref):
    x = x_ref[...]
    t = t_ref[...]
    iota = lax.broadcasted_iota(jnp.int32, (_C, _BC), 0)
    mask = iota == t
    cos_t = jnp.sum(jnp.where(mask, x, 0.0), axis=0, keepdims=True)
    xe = jnp.where(mask, -jnp.inf, x)
    m = jnp.max(xe, axis=0, keepdims=True)
    s = jnp.sum(jnp.exp(xe - m), axis=0, keepdims=True)
    m_ref[...] = m
    s_ref[...] = s
    c_ref[...] = cos_t


def _combine_body(m_ref, s_ref, c_ref, phi_ref, out_ref):
    m, s, cos_t, phi = m_ref[...], s_ref[...], c_ref[...], phi_ref[...]
    bal = cos_t * _C1 + phi * _C2
    big = jnp.maximum(m, bal)
    ss = s * jnp.exp(m - big) + jnp.exp(bal - big)
    loss = big + jnp.log(ss) - bal
    out_ref[...] = jnp.sum(loss, axis=1, keepdims=True) * (1.0 / _B)


@jax.jit
def kernel(x_cos, x_phi, target):
    xc = x_cos.T
    xp = x_phi.T
    t2 = target.reshape(1, _B)
    phi_t = _sc_gather_phi(xp, target)
    m, s, cos_t = pl.pallas_call(
        _stats_body,
        grid=(_GRID,),
        in_specs=[
            pl.BlockSpec((_C, _BC), lambda i: (0, i)),
            pl.BlockSpec((1, _BC), lambda i: (0, i)),
        ],
        out_specs=[
            pl.BlockSpec((1, _BC), lambda i: (0, i)),
            pl.BlockSpec((1, _BC), lambda i: (0, i)),
            pl.BlockSpec((1, _BC), lambda i: (0, i)),
        ],
        out_shape=[
            jax.ShapeDtypeStruct((1, _B), jnp.float32),
            jax.ShapeDtypeStruct((1, _B), jnp.float32),
            jax.ShapeDtypeStruct((1, _B), jnp.float32),
        ],
        compiler_params=pltpu.CompilerParams(
            dimension_semantics=("parallel",)
        ),
    )(xc, t2)
    loss = pl.pallas_call(
        _combine_body,
        out_shape=jax.ShapeDtypeStruct((1, 1), jnp.float32),
    )(m, s, cos_t, phi_t.reshape(1, _B))
    return loss[0, 0]

# --- scband reference (transcript-rebuilt; emitter-appended) ---
"""Pipeline reference for scband-angle-loss-8358006358497 (READ-ONLY COPY).

The authoritative reference and input builder live on the scoring server;
editing this copy changes nothing except your own understanding.
"""

import jax, jax.numpy as jnp
import numpy as np


def setup_inputs(seed: int = 0) -> dict:
    key = jax.random.key(seed)
    k1, k2, k3 = jax.random.split(key, 3)
    B, C = 16384, 1000
    x_cos = jax.random.normal(k1, (B, C), dtype=jnp.float32)
    x_phi = jax.random.normal(k2, (B, C), dtype=jnp.float32)
    target = jax.random.randint(k3, (B,), 0, C, dtype=jnp.int32)
    return {"x_cos": x_cos, "x_phi": x_phi, "target": target}


def reference(x_cos, x_phi, target):
    # AngleLoss forward with self.it incremented to 1 on first call
    it = 1
    LambdaMin, LambdaMax = 5.0, 1500.0
    lamb = max(LambdaMin, LambdaMax / (1.0 + 0.01 * it))
    B = x_cos.shape[0]
    tgt = target.reshape(-1, 1)
    # gather the target-class logits (equivalent of x_cos[index] with one-hot scatter mask)
    cos_t = jnp.take_along_axis(x_cos, tgt, axis=1)[:, 0]
    phi_t = jnp.take_along_axis(x_phi, tgt, axis=1)[:, 0]
    x_phi_balanced = cos_t * lamb / (1.0 + lamb) + phi_t / (1.0 + lamb)
    # scatter-overwrite the target positions of x_cos with the balanced value
    x_mod = x_cos.at[jnp.arange(B), target].set(x_phi_balanced)
    loss = jax.scipy.special.logsumexp(x_mod, axis=1) - x_phi_balanced
    return loss.mean()

if __name__ == "__main__":
    import jax
    _d = setup_inputs()
    print(jax.jit(kernel)(*tuple(_d.values())))

</pallas_src>

<mosaic_0001>
#map = affine_map<(d0, d1) -> (0, 0)>
#map1 = affine_map<(d0, d1) -> (0)>
module attributes {stable_mosaic.version = 14 : i64} {
  func.func @k(%arg0: i32, %arg1: i32, %arg2: memref<1000x16384xf32, #tpu.memory_space<hbm>>, %arg3: memref<16384xi32, #tpu.memory_space<hbm>>, %arg4: memref<16384xf32, #tpu.memory_space<hbm>>, %arg5: memref<512xi32, #tpu.memory_space<vmem>>, %arg6: memref<1000x128xf32, #tpu.memory_space<vmem>>, %arg7: memref<512xf32, #tpu.memory_space<vmem>>, %arg8: memref<!tpu.dma_semaphore, #tpu.memory_space<semaphore_mem>>) attributes {dimension_semantics = [#tpu.dimension_semantics<core_parallel>, #tpu.dimension_semantics<subcore_parallel>], iteration_bounds = array<i64: 2, 16>, scalar_prefetch = 0 : i64, scratch_operands = 4 : i64, tpu.core_type = #tpu.core_type<sc_vector_subcore>, window_params = [{transform_indices = #map}, {transform_indices = #map1}, {transform_indices = #map1}]} {
    %mul3A = arith.constant 2 : i32
    %mul3A_0 = arith.muli %arg1, %mul3A : i32
    %add3A = arith.addi %mul3A_0, %arg0 : i32
    %mul3A_1 = arith.constant 512 : i32
    %mul3A_2 = arith.muli %add3A, %mul3A_1 : i32
    "tpu.region"() ({
      %run_scoped3A = tpu.sem_alloc : memref<!tpu.dma_semaphore, #tpu.memory_space<semaphore_mem>>
      %dma_start3A = tpu.memref_slice %arg3[%mul3A_2] : memref<16384xi32, #tpu.memory_space<hbm>> -> memref<512xi32, #tpu.memory_space<hbm>>
      %dma_start3A_8 = tpu.memref_slice %arg3[%mul3A_2] : memref<16384xi32, #tpu.memory_space<hbm>> -> memref<512xi32, #tpu.memory_space<hbm>>
      tpu.enqueue_dma source(%dma_start3A_8 : memref<512xi32, #tpu.memory_space<hbm>>) target(%arg5 : memref<512xi32, #tpu.memory_space<vmem>>) target_semaphore(%run_scoped3A : memref<!tpu.dma_semaphore, #tpu.memory_space<semaphore_mem>>)
      %dma_wait3A = tpu.memref_slice %arg3[%mul3A_2] : memref<16384xi32, #tpu.memory_space<hbm>> -> memref<512xi32, #tpu.memory_space<hbm>>
      %dma_wait3A_9 = tpu.memref_slice %arg3[%mul3A_2] : memref<16384xi32, #tpu.memory_space<hbm>> -> memref<512xi32, #tpu.memory_space<hbm>>
      tpu.wait_dma2 semaphore(%run_scoped3A : memref<!tpu.dma_semaphore, #tpu.memory_space<semaphore_mem>>) src(%dma_wait3A_9 : memref<512xi32, #tpu.memory_space<hbm>>) dst(%arg5 : memref<512xi32, #tpu.memory_space<vmem>>)
      tpu.yield
    }) : () -> ()
    %scan3A = arith.constant 0 : i32
    %scan3A_3 = arith.constant 0 : i32
    %scan3A_4 = arith.constant 4 : i32
    %scan3A_5 = arith.addi %scan3A_3, %scan3A_4 : i32
    %scan3A_6 = arith.constant 1 : i32
    scf.for %scan3A_8 = %scan3A_3 to %scan3A_5 step %scan3A_6  : i32 {
      %mul3A_9 = arith.constant 128 : i32
      %mul3A_10 = arith.muli %scan3A_8, %mul3A_9 : i32
      %add3A_11 = arith.addi %mul3A_2, %mul3A_10 : i32
      "tpu.region"() ({
        %run_scoped3A = tpu.sem_alloc : memref<!tpu.dma_semaphore, #tpu.memory_space<semaphore_mem>>
        %dma_start3A = arith.constant 0 : i32
        %dma_start3A_112 = tpu.memref_slice %arg2[%dma_start3A, %add3A_11] : memref<1000x16384xf32, #tpu.memory_space<hbm>> -> memref<1000x128xf32, #tpu.memory_space<hbm>>
        %dma_start3A_113 = arith.constant 0 : i32
        %dma_start3A_114 = tpu.memref_slice %arg2[%dma_start3A_113, %add3A_11] : memref<1000x16384xf32, #tpu.memory_space<hbm>> -> memref<1000x128xf32, #tpu.memory_space<hbm>>
        tpu.enqueue_dma source(%dma_start3A_114 : memref<1000x128xf32, #tpu.memory_space<hbm>>) target(%arg6 : memref<1000x128xf32, #tpu.memory_space<vmem>>) target_semaphore(%run_scoped3A : memref<!tpu.dma_semaphore, #tpu.memory_space<semaphore_mem>>)
        %dma_wait3A = arith.constant 0 : i32
        %dma_wait3A_115 = tpu.memref_slice %arg2[%dma_wait3A, %add3A_11] : memref<1000x16384xf32, #tpu.memory_space<hbm>> -> memref<1000x128xf32, #tpu.memory_space<hbm>>
        %dma_wait3A_116 = arith.constant 0 : i32
        %dma_wait3A_117 = tpu.memref_slice %arg2[%dma_wait3A_116, %add3A_11] : memref<1000x16384xf32, #tpu.memory_space<hbm>> -> memref<1000x128xf32, #tpu.memory_space<hbm>>
        tpu.wait_dma2 semaphore(%run_scoped3A : memref<!tpu.dma_semaphore, #tpu.memory_space<semaphore_mem>>) src(%dma_wait3A_117 : memref<1000x128xf32, #tpu.memory_space<hbm>>) dst(%arg6 : memref<1000x128xf32, #tpu.memory_space<vmem>>)
        tpu.yield
      }) : () -> ()
      %iota3A = tpu.iota {dimensions = array<i32: 0>} : vector<16xi32>
      %add3A_12 = arith.constant 0 : i32
      %add3A_13 = vector.broadcast %add3A_12 : i32 to vector<16xi32>
      %add3A_14 = arith.addi %add3A_13, %iota3A : vector<16xi32>
      %add3A_15 = arith.constant 0 : i32
      %add3A_16 = arith.addi %mul3A_10, %add3A_15 : i32
      %get3A = arith.index_cast %add3A_16 : i32 to index
      %get3A_17 = tpu.vector_load %arg5[%get3A] {strides = array<i32>} : memref<512xi32, #tpu.memory_space<vmem>>, vector<16xi32>,
      %gather3A = tpu.vector_load_idx %arg6[%get3A_17, %add3A_14] : memref<1000x128xf32, #tpu.memory_space<vmem>>[vector<16xi32>, vector<16xi32>], vector<16xf32>,
      %add3A_18 = arith.constant 0 : i32
      %add3A_19 = arith.addi %mul3A_10, %add3A_18 : i32
      %swap3A = arith.index_cast %add3A_19 : i32 to index
      %swap3A_20 = tpu.vector_load %arg7[%swap3A] {strides = array<i32>} : memref<512xf32, #tpu.memory_space<vmem>>, vector<16xf32>,
      tpu.vector_store %arg7[%swap3A], %gather3A {strides = array<i32>} : memref<512xf32, #tpu.memory_space<vmem>>, vector<16xf32>,
      %iota3A_21 = tpu.iota {dimensions = array<i32: 0>} : vector<16xi32>
      %add3A_22 = arith.constant 16 : i32
      %add3A_23 = vector.broadcast %add3A_22 : i32 to vector<16xi32>
      %add3A_24 = arith.addi %add3A_23, %iota3A_21 : vector<16xi32>
      %add3A_25 = arith.constant 16 : i32
      %add3A_26 = arith.addi %mul3A_10, %add3A_25 : i32
      %get3A_27 = arith.index_cast %add3A_26 : i32 to index
      %get3A_28 = tpu.vector_load %arg5[%get3A_27] {strides = array<i32>} : memref<512xi32, #tpu.memory_space<vmem>>, vector<16xi32>,
      %gather3A_29 = tpu.vector_load_idx %arg6[%get3A_28, %add3A_24] : memref<1000x128xf32, #tpu.memory_space<vmem>>[vector<16xi32>, vector<16xi32>], vector<16xf32>,
      %add3A_30 = arith.constant 16 : i32
      %add3A_31 = arith.addi %mul3A_10, %add3A_30 : i32
      %swap3A_32 = arith.index_cast %add3A_31 : i32 to index
      %swap3A_33 = tpu.vector_load %arg7[%swap3A_32] {strides = array<i32>} : memref<512xf32, #tpu.memory_space<vmem>>, vector<16xf32>,
      tpu.vector_store %arg7[%swap3A_32], %gather3A_29 {strides = array<i32>} : memref<512xf32, #tpu.memory_space<vmem>>, vector<16xf32>,
      %iota3A_34 = tpu.iota {dimensions = array<i32: 0>} : vector<16xi32>
      %add3A_35 = arith.constant 32 : i32
      %add3A_36 = vector.broadcast %add3A_35 : i32 to vector<16xi32>
      %add3A_37 = arith.addi %add3A_36, %iota3A_34 : vector<16xi32>
      %add3A_38 = arith.constant 32 : i32
      %add3A_39 = arith.addi %mul3A_10, %add3A_38 : i32
      %get3A_40 = arith.index_cast %add3A_39 : i32 to index
      %get3A_41 = tpu.vector_load %arg5[%get3A_40] {strides = array<i32>} : memref<512xi32, #tpu.memory_space<vmem>>, vector<16xi32>,
      %gather3A_42 = tpu.vector_load_idx %arg6[%get3A_41, %add3A_37] : memref<1000x128xf32, #tpu.memory_space<vmem>>[vector<16xi32>, vector<16xi32>], vector<16xf32>,
      %add3A_43 = arith.constant 32 : i32
      %add3A_44 = arith.addi %mul3A_10, %add3A_43 : i32
      %swap3A_45 = arith.index_cast %add3A_44 : i32 to index
      %swap3A_46 = tpu.vector_load %arg7[%swap3A_45] {strides = array<i32>} : memref<512xf32, #tpu.memory_space<vmem>>, vector<16xf32>,
      tpu.vector_store %arg7[%swap3A_45], %gather3A_42 {strides = array<i32>} : memref<512xf32, #tpu.memory_space<vmem>>, vector<16xf32>,
      %iota3A_47 = tpu.iota {dimensions = array<i32: 0>} : vector<16xi32>
      %add3A_48 = arith.constant 48 : i32
      %add3A_49 = vector.broadcast %add3A_48 : i32 to vector<16xi32>
      %add3A_50 = arith.addi %add3A_49, %iota3A_47 : vector<16xi32>
      %add3A_51 = arith.constant 48 : i32
      %add3A_52 = arith.addi %mul3A_10, %add3A_51 : i32
      %get3A_53 = arith.index_cast %add3A_52 : i32 to index
      %get3A_54 = tpu.vector_load %arg5[%get3A_53] {strides = array<i32>} : memref<512xi32, #tpu.memory_space<vmem>>, vector<16xi32>,
      %gather3A_55 = tpu.vector_load_idx %arg6[%get3A_54, %add3A_50] : memref<1000x128xf32, #tpu.memory_space<vmem>>[vector<16xi32>, vector<16xi32>], vector<16xf32>,
      %add3A_56 = arith.constant 48 : i32
      %add3A_57 = arith.addi %mul3A_10, %add3A_56 : i32
      %swap3A_58 = arith.index_cast %add3A_57 : i32 to index
      %swap3A_59 = tpu.vector_load %arg7[%swap3A_58] {strides = array<i32>} : memref<512xf32, #tpu.memory_space<vmem>>, vector<16xf32>,
      tpu.vector_store %arg7[%swap3A_58], %gather3A_55 {strides = array<i32>} : memref<512xf32, #tpu.memory_space<vmem>>, vector<16xf32>,
      %iota3A_60 = tpu.iota {dimensions = array<i32: 0>} : vector<16xi32>
      %add3A_61 = arith.constant 64 : i32
      %add3A_62 = vector.broadcast %add3A_61 : i32 to vector<16xi32>
      %add3A_63 = arith.addi %add3A_62, %iota3A_60 : vector<16xi32>
      %add3A_64 = arith.constant 64 : i32
      %add3A_65 = arith.addi %mul3A_10, %add3A_64 : i32
      %get3A_66 = arith.index_cast %add3A_65 : i32 to index
      %get3A_67 = tpu.vector_load %arg5[%get3A_66] {strides = array<i32>} : memref<512xi32, #tpu.memory_space<vmem>>, vector<16xi32>,
      %gather3A_68 = tpu.vector_load_idx %arg6[%get3A_67, %add3A_63] : memref<1000x128xf32, #tpu.memory_space<vmem>>[vector<16xi32>, vector<16xi32>], vector<16xf32>,
      %add3A_69 = arith.constant 64 : i32
      %add3A_70 = arith.addi %mul3A_10, %add3A_69 : i32
      %swap3A_71 = arith.index_cast %add3A_70 : i32 to index
      %swap3A_72 = tpu.vector_load %arg7[%swap3A_71] {strides = array<i32>} : memref<512xf32, #tpu.memory_space<vmem>>, vector<16xf32>,
      tpu.vector_store %arg7[%swap3A_71], %gather3A_68 {strides = array<i32>} : memref<512xf32, #tpu.memory_space<vmem>>, vector<16xf32>,
      %iota3A_73 = tpu.iota {dimensions = array<i32: 0>} : vector<16xi32>
      %add3A_74 = arith.constant 80 : i32
      %add3A_75 = vector.broadcast %add3A_74 : i32 to vector<16xi32>
      %add3A_76 = arith.addi %add3A_75, %iota3A_73 : vector<16xi32>
      %add3A_77 = arith.constant 80 : i32
      %add3A_78 = arith.addi %mul3A_10, %add3A_77 : i32
      %get3A_79 = arith.index_cast %add3A_78 : i32 to index
      %get3A_80 = tpu.vector_load %arg5[%get3A_79] {strides = array<i32>} : memref<512xi32, #tpu.memory_space<vmem>>, vector<16xi32>,
      %gather3A_81 = tpu.vector_load_idx %arg6[%get3A_80, %add3A_76] : memref<1000x128xf32, #tpu.memory_space<vmem>>[vector<16xi32>, vector<16xi32>], vector<16xf32>,
      %add3A_82 = arith.constant 80 : i32
      %add3A_83 = arith.addi %mul3A_10, %add3A_82 : i32
      %swap3A_84 = arith.index_cast %add3A_83 : i32 to index
      %swap3A_85 = tpu.vector_load %arg7[%swap3A_84] {strides = array<i32>} : memref<512xf32, #tpu.memory_space<vmem>>, vector<16xf32>,
      tpu.vector_store %arg7[%swap3A_84], %gather3A_81 {strides = array<i32>} : memref<512xf32, #tpu.memory_space<vmem>>, vector<16xf32>,
      %iota3A_86 = tpu.iota {dimensions = array<i32: 0>} : vector<16xi32>
      %add3A_87 = arith.constant 96 : i32
      %add3A_88 = vector.broadcast %add3A_87 : i32 to vector<16xi32>
      %add3A_89 = arith.addi %add3A_88, %iota3A_86 : vector<16xi32>
      %add3A_90 = arith.constant 96 : i32
      %add3A_91 = arith.addi %mul3A_10, %add3A_90 : i32
      %get3A_92 = arith.index_cast %add3A_91 : i32 to index
      %get3A_93 = tpu.vector_load %arg5[%get3A_92] {strides = array<i32>} : memref<512xi32, #tpu.memory_space<vmem>>, vector<16xi32>,
      %gather3A_94 = tpu.vector_load_idx %arg6[%get3A_93, %add3A_89] : memref<1000x128xf32, #tpu.memory_space<vmem>>[vector<16xi32>, vector<16xi32>], vector<16xf32>,
      %add3A_95 = arith.constant 96 : i32
      %add3A_96 = arith.addi %mul3A_10, %add3A_95 : i32
      %swap3A_97 = arith.index_cast %add3A_96 : i32 to index
      %swap3A_98 = tpu.vector_load %arg7[%swap3A_97] {strides = array<i32>} : memref<512xf32, #tpu.memory_space<vmem>>, vector<16xf32>,
      tpu.vector_store %arg7[%swap3A_97], %gather3A_94 {strides = array<i32>} : memref<512xf32, #tpu.memory_space<vmem>>, vector<16xf32>,
      %iota3A_99 = tpu.iota {dimensions = array<i32: 0>} : vector<16xi32>
      %add3A_100 = arith.constant 112 : i32
      %add3A_101 = vector.broadcast %add3A_100 : i32 to vector<16xi32>
      %add3A_102 = arith.addi %add3A_101, %iota3A_99 : vector<16xi32>
      %add3A_103 = arith.constant 112 : i32
      %add3A_104 = arith.addi %mul3A_10, %add3A_103 : i32
      %get3A_105 = arith.index_cast %add3A_104 : i32 to index
      %get3A_106 = tpu.vector_load %arg5[%get3A_105] {strides = array<i32>} : memref<512xi32, #tpu.memory_space<vmem>>, vector<16xi32>,
      %gather3A_107 = tpu.vector_load_idx %arg6[%get3A_106, %add3A_102] : memref<1000x128xf32, #tpu.memory_space<vmem>>[vector<16xi32>, vector<16xi32>], vector<16xf32>,
      %add3A_108 = arith.constant 112 : i32
      %add3A_109 = arith.addi %mul3A_10, %add3A_108 : i32
      %swap3A_110 = arith.index_cast %add3A_109 : i32 to index
      %swap3A_111 = tpu.vector_load %arg7[%swap3A_110] {strides = array<i32>} : memref<512xf32, #tpu.memory_space<vmem>>, vector<16xf32>,
      tpu.vector_store %arg7[%swap3A_110], %gather3A_107 {strides = array<i32>} : memref<512xf32, #tpu.memory_space<vmem>>, vector<16xf32>,
    }
    %scan3A_7 = arith.constant 4 : i32
    "tpu.region"() ({
      %run_scoped3A = tpu.sem_alloc : memref<!tpu.dma_semaphore, #tpu.memory_space<semaphore_mem>>
      %dma_start3A = tpu.memref_slice %arg4[%mul3A_2] : memref<16384xf32, #tpu.memory_space<hbm>> -> memref<512xf32, #tpu.memory_space<hbm>>
      %dma_start3A_8 = tpu.memref_slice %arg4[%mul3A_2] : memref<16384xf32, #tpu.memory_space<hbm>> -> memref<512xf32, #tpu.memory_space<hbm>>
      tpu.enqueue_dma source(%arg7 : memref<512xf32, #tpu.memory_space<vmem>>) target(%dma_start3A_8 : memref<512xf32, #tpu.memory_space<hbm>>) target_semaphore(%run_scoped3A : memref<!tpu.dma_semaphore, #tpu.memory_space<semaphore_mem>>)
      %dma_wait3A = tpu.memref_slice %arg4[%mul3A_2] : memref<16384xf32, #tpu.memory_space<hbm>> -> memref<512xf32, #tpu.memory_space<hbm>>
      %dma_wait3A_9 = tpu.memref_slice %arg4[%mul3A_2] : memref<16384xf32, #tpu.memory_space<hbm>> -> memref<512xf32, #tpu.memory_space<hbm>>
      tpu.wait_dma2 semaphore(%run_scoped3A : memref<!tpu.dma_semaphore, #tpu.memory_space<semaphore_mem>>) src(%arg7 : memref<512xf32, #tpu.memory_space<vmem>>) dst(%dma_wait3A_9 : memref<512xf32, #tpu.memory_space<hbm>>)
      tpu.yield
    }) : () -> ()
    return
  }
}

module attributes {stable_mosaic.version = 14 : i64} {
  func.func @_stats_body(%arg0: i32, %arg1: memref<1000x2048xf32, #tpu.memory_space<vmem>>, %arg2: memref<1x2048xi32, #tpu.memory_space<vmem>>, %arg3: memref<1x2048xf32, #tpu.memory_space<vmem>>, %arg4: memref<1x2048xf32, #tpu.memory_space<vmem>>, %arg5: memref<1x2048xf32, #tpu.memory_space<vmem>>) attributes {dimension_semantics = [#tpu.dimension_semantics<parallel>], iteration_bounds = array<i64: 8>, scalar_prefetch = 0 : i64, scratch_operands = 0 : i64, tpu.core_type = #tpu.core_type<tc>, window_params = [{transform_indices = @transform_0, window_bounds = array<i64: 1000, 2048>}, {transform_indices = @transform_1, window_bounds = array<i64: 1, 2048>}, {transform_indices = @transform_2, window_bounds = array<i64: 1, 2048>}, {transform_indices = @transform_3, window_bounds = array<i64: 1, 2048>}, {transform_indices = @transform_4, window_bounds = array<i64: 1, 2048>}]} {
    %get3A = arith.constant 0 : index
    %get3A_0 = arith.constant 0 : index
    %get3A_1 = vector.load %arg1[%get3A, %get3A_0] : memref<1000x2048xf32, #tpu.memory_space<vmem>>, vector<1000x2048xf32>
    %get3A_2 = arith.constant 0 : index
    %get3A_3 = arith.constant 0 : index
    %get3A_4 = vector.load %arg2[%get3A_2, %get3A_3] : memref<1x2048xi32, #tpu.memory_space<vmem>>, vector<1x2048xi32>
    %iota3A = tpu.iota {dimensions = array<i32: 0>} : vector<1000x2048xi32>
    %eq3A = vector.broadcast %get3A_4 : vector<1x2048xi32> to vector<1000x2048xi32>
    %eq3A_5 = arith.cmpi eq, %iota3A, %eq3A : vector<1000x2048xi32>
    %jit3A = arith.constant 0.000000e+00 : f32
    %broadcast_in_dim3A = vector.broadcast %jit3A : f32 to vector<1000x2048xf32>
    %select_n3A = arith.select %eq3A_5, %get3A_1, %broadcast_in_dim3A : vector<1000x2048xi1>, vector<1000x2048xf32>
    %reduce_sum3A = arith.constant dense<0.000000e+00> : vector<2048xf32>
    %reduce_sum3A_6 = vector.multi_reduction <add>, %select_n3A, %reduce_sum3A [0] : vector<1000x2048xf32> to vector<2048xf32>
    %broadcast_in_dim3A_7 = vector.shape_cast %reduce_sum3A_6 : vector<2048xf32> to vector<1x2048xf32>
    %jit3A_8 = arith.constant 0xFF800000 : f32
    %broadcast_in_dim3A_9 = vector.broadcast %jit3A_8 : f32 to vector<1000x2048xf32>
    %select_n3A_10 = arith.select %eq3A_5, %broadcast_in_dim3A_9, %get3A_1 : vector<1000x2048xi1>, vector<1000x2048xf32>
    %reduce_max3A = arith.constant dense<0xFF800000> : vector<2048xf32>
    %reduce_max3A_11 = vector.multi_reduction <maximumf>, %select_n3A_10, %reduce_max3A [0] : vector<1000x2048xf32> to vector<2048xf32>
    %broadcast_in_dim3A_12 = vector.shape_cast %reduce_max3A_11 : vector<2048xf32> to vector<1x2048xf32>
    %sub3A = vector.broadcast %broadcast_in_dim3A_12 : vector<1x2048xf32> to vector<1000x2048xf32>
    %sub3A_13 = arith.subf %select_n3A_10, %sub3A : vector<1000x2048xf32>
    %exp3A = math.exp %sub3A_13 : vector<1000x2048xf32>
    %reduce_sum3A_14 = arith.constant dense<0.000000e+00> : vector<2048xf32>
    %reduce_sum3A_15 = vector.multi_reduction <add>, %exp3A, %reduce_sum3A_14 [0] : vector<1000x2048xf32> to vector<2048xf32>
    %broadcast_in_dim3A_16 = vector.shape_cast %reduce_sum3A_15 : vector<2048xf32> to vector<1x2048xf32>
    %swap3A = arith.constant 0 : index
    %swap3A_17 = arith.constant 0 : index
    %swap3A_18 = vector.load %arg3[%swap3A, %swap3A_17] : memref<1x2048xf32, #tpu.memory_space<vmem>>, vector<1x2048xf32>
    tpu.vector_store %arg3[%swap3A, %swap3A_17], %broadcast_in_dim3A_12 {strides = array<i32>} : memref<1x2048xf32, #tpu.memory_space<vmem>>, vector<1x2048xf32>,
    %swap3A_19 = arith.constant 0 : index
    %swap3A_20 = arith.constant 0 : index
    %swap3A_21 = vector.load %arg4[%swap3A_19, %swap3A_20] : memref<1x2048xf32, #tpu.memory_space<vmem>>, vector<1x2048xf32>
    tpu.vector_store %arg4[%swap3A_19, %swap3A_20], %broadcast_in_dim3A_16 {strides = array<i32>} : memref<1x2048xf32, #tpu.memory_space<vmem>>, vector<1x2048xf32>,
    %swap3A_22 = arith.constant 0 : index
    %swap3A_23 = arith.constant 0 : index
    %swap3A_24 = vector.load %arg5[%swap3A_22, %swap3A_23] : memref<1x2048xf32, #tpu.memory_space<vmem>>, vector<1x2048xf32>
    tpu.vector_store %arg5[%swap3A_22, %swap3A_23], %broadcast_in_dim3A_7 {strides = array<i32>} : memref<1x2048xf32, #tpu.memory_space<vmem>>, vector<1x2048xf32>,
    return
  }
  func.func @transform_0(%arg0: i32) -> (i32, i32) {
    %c0_i32 = arith.constant 0 : i32
    %c0_i32_0 = arith.constant 0 : i32
    return %c0_i32, %arg0 : i32, i32
  }
  func.func @transform_1(%arg0: i32) -> (i32, i32) {
    %c0_i32 = arith.constant 0 : i32
    %c0_i32_0 = arith.constant 0 : i32
    return %c0_i32, %arg0 : i32, i32
  }
  func.func @transform_2(%arg0: i32) -> (i32, i32) {
    %c0_i32 = arith.constant 0 : i32
    %c0_i32_0 = arith.constant 0 : i32
    return %c0_i32, %arg0 : i32, i32
  }
  func.func @transform_3(%arg0: i32) -> (i32, i32) {
    %c0_i32 = arith.constant 0 : i32
    %c0_i32_0 = arith.constant 0 : i32
    return %c0_i32, %arg0 : i32, i32
  }
  func.func @transform_4(%arg0: i32) -> (i32, i32) {
    %c0_i32 = arith.constant 0 : i32
    %c0_i32_0 = arith.constant 0 : i32
    return %c0_i32, %arg0 : i32, i32
  }
}

module attributes {stable_mosaic.version = 14 : i64} {
  func.func @_combine_body(%arg0: memref<1x16384xf32, #tpu.memory_space<vmem>>, %arg1: memref<1x16384xf32, #tpu.memory_space<vmem>>, %arg2: memref<1x16384xf32, #tpu.memory_space<vmem>>, %arg3: memref<1x16384xf32, #tpu.memory_space<vmem>>, %arg4: memref<1x1xf32, #tpu.memory_space<vmem>>) attributes {dimension_semantics = [], scalar_prefetch = 0 : i64, scratch_operands = 0 : i64, tpu.core_type = #tpu.core_type<tc>} {
    %get3A = arith.constant 0 : index
    %get3A_0 = arith.constant 0 : index
    %get3A_1 = vector.load %arg0[%get3A, %get3A_0] : memref<1x16384xf32, #tpu.memory_space<vmem>>, vector<1x16384xf32>
    %get3A_2 = arith.constant 0 : index
    %get3A_3 = arith.constant 0 : index
    %get3A_4 = vector.load %arg1[%get3A_2, %get3A_3] : memref<1x16384xf32, #tpu.memory_space<vmem>>, vector<1x16384xf32>
    %get3A_5 = arith.constant 0 : index
    %get3A_6 = arith.constant 0 : index
    %get3A_7 = vector.load %arg2[%get3A_5, %get3A_6] : memref<1x16384xf32, #tpu.memory_space<vmem>>, vector<1x16384xf32>
    %get3A_8 = arith.constant 0 : index
    %get3A_9 = arith.constant 0 : index
    %get3A_10 = vector.load %arg3[%get3A_8, %get3A_9] : memref<1x16384xf32, #tpu.memory_space<vmem>>, vector<1x16384xf32>
    %mul3A = arith.constant 0.999327123 : f32
    %mul3A_11 = vector.broadcast %mul3A : f32 to vector<1x16384xf32>
    %mul3A_12 = arith.mulf %get3A_7, %mul3A_11 : vector<1x16384xf32>
    %mul3A_13 = arith.constant 6.72880269E-4 : f32
    %mul3A_14 = vector.broadcast %mul3A_13 : f32 to vector<1x16384xf32>
    %mul3A_15 = arith.mulf %get3A_10, %mul3A_14 : vector<1x16384xf32>
    %add3A = arith.addf %mul3A_12, %mul3A_15 : vector<1x16384xf32>
    %max3A = arith.maximumf %get3A_1, %add3A : vector<1x16384xf32>
    %sub3A = arith.subf %get3A_1, %max3A : vector<1x16384xf32>
    %exp3A = math.exp %sub3A : vector<1x16384xf32>
    %mul3A_16 = arith.mulf %get3A_4, %exp3A : vector<1x16384xf32>
    %sub3A_17 = arith.subf %add3A, %max3A : vector<1x16384xf32>
    %exp3A_18 = math.exp %sub3A_17 : vector<1x16384xf32>
    %add3A_19 = arith.addf %mul3A_16, %exp3A_18 : vector<1x16384xf32>
    %log3A = math.log %add3A_19 : vector<1x16384xf32>
    %add3A_20 = arith.addf %max3A, %log3A : vector<1x16384xf32>
    %sub3A_21 = arith.subf %add3A_20, %add3A : vector<1x16384xf32>
    %reduce_sum3A = arith.constant dense<0.000000e+00> : vector<1xf32>
    %reduce_sum3A_22 = vector.multi_reduction <add>, %sub3A_21, %reduce_sum3A [1] : vector<1x16384xf32> to vector<1xf32>
    %broadcast_in_dim3A = vector.shape_cast %reduce_sum3A_22 : vector<1xf32> to vector<1x1xf32>
    %mul3A_23 = arith.constant 6.10351563E-5 : f32
    %mul3A_24 = vector.broadcast %mul3A_23 : f32 to vector<1x1xf32>
    %mul3A_25 = arith.mulf %broadcast_in_dim3A, %mul3A_24 : vector<1x1xf32>
    %swap3A = arith.constant 0 : index
    %swap3A_26 = arith.constant 0 : index
    %swap3A_27 = vector.load %arg4[%swap3A, %swap3A_26] : memref<1x1xf32, #tpu.memory_space<vmem>>, vector<1x1xf32>
    tpu.vector_store %arg4[%swap3A, %swap3A_26], %mul3A_25 {strides = array<i32>} : memref<1x1xf32, #tpu.memory_space<vmem>>, vector<1x1xf32>,
    return
  }
}

</mosaic_0001>

<sc_bundles>
// kernel: kernel.5.cloned.1.call-start
scs
__scs_entry_jumppad:
0x0: {  	(pc) =	sbr.rel $0x88, $3  }
0x1: {  	(tag) =	ssettag $0x0;
	lr =	simm.s32 $0x1  }
0x2: {  	[smem:$0x3F9E] =	sst lr;
	_ =	strace $0xD0000000  }
0x3: {  	_ = 	snop  }
0x4: {  	_ = 	snop  }
0x5: {  	_ = 	snop  }
0x6: {  	_ = 	snop  }
0x7: {  	_ = 	snop  }
__scs_overlays_trampoline_lowered:
0x8: {  	[smem:$0x3FAD] =	sst s0  }
0x9: {  	[smem:$0x3FAE] =	sst s1  }
0xa: {  	[smem:$0x3FAF] =	sst s2  }
0xb: {  	[smem:$0x3FB0] =	sst s3  }
0xc: {  	[smem:$0x3FB1] =	sst s4  }
0xd: {  	[smem:$0x3FB2] =	sst s5  }
0xe: {  	[smem:$0x3FB3] =	sst s6  }
0xf: {  	[smem:$0x3FB4] =	sst s7  }
0x10: {  	[smem:$0x3FB5] =	sst s8  }
0x11: {  	[smem:$0x3FB6] =	sst s9;
	s0 =	simm.s32 @!p0 $0x0  }
0x12: {  	s1 =	sld [smem:$0x3F9C];
	s0 =	simm.s32 @p0 $0x1  }
0x13: {  	[smem:$0x3FB7] =	sst s0;
	s0 =	simm.s32 @!p1 $0x0  }
0x14: {  	s2 =	sld [smem:$0x3F9B];
	s0 =	simm.s32 @p1 $0x1  }
0x15: {  	[smem:$0x3FB8] =	sst s0;
	s0 =	simm.s32 @!p2 $0x0  }
0x16: {  	s3 =	sld [smem:$0x3FDB];
	s0 =	simm.s32 @p2 $0x1  }
0x17: {  	s4 =	simm.s32 $0x1BF5;
	[smem:$0x3FBA] =	sst s0  }
0x18: {  	s0 =	sld [smem:$0x3F9D];
	_ =	swait.ge [sflag:s4], $0x0  }
0x19: {  	s7 =	sld [smem:$0x3F9E]  }
0x1a: {  	s8 =	sadd.s32 $0xFFFFE003, lr  }
0x1b: {  	s9 =	sadd.s32 $0xFFFFFEF7, lr;
	s5 =	simm.s32 $0xFFFFFFFF;
	p2 =	slt.u32 s8, $0xFFFFF086  }
0x1c: {  	p1 =	slt.u32 s9, $0xF7A;
	s5 =	simm.s32 @!p2 $0x0  }
0x1d: {  	s5 =	simm.s32 @p1 $0x1;
	p0 =	seq.s32 s7, s2  }
0x1e: {  	s7 =	smul.u32 @!p0 $0xF7A, s2;
	p2 =	seq.s32 @!p0 s5, $0x0  }
0x1f: {  	s9 =	smul.u32 $0xF7A, s1;
	s8 =	simm.s32 @!p0 $0x1BF5;
	p2 =	por !p2, p0  }
0x20: {  	[sflag:s8] =	ssyncset.s32 @!p0 $0xFFFFF086;
	s6 =	sadd.s32 @!p0 s3, s7;
	s7 =	simm.s32 @!p0 $0x108  }
0x21: {  	s3 =	sadd.s32 s3, s9;
	s6 =	sadd.s32 @!p0 $0x88, s6;
	s7 =	simm.s32 @p2 $0x1082  }
0x22: {  	[simem:s7], [sflag:s8] =	dma.local @!p0 [hbm:s6], $0xF7A  }
0x23: {  	s9 =	sor.u32 $0xD0000000, s2;
	s6 =	simm.s32 $0x108;
	_ =	swait.ge @!p0 [sflag:s8], $0x0  }
0x24: {  	s3 =	sadd.s32 $0x88, s3;
	s6 =	simm.s32 @!p1 $0x1082;
	[sflag:s4] =	ssyncset.s32 $0xFFFFF086  }
0x25: {  	[simem:s6], [sflag:s4] =	dma.local [hbm:s3], $0xF7A  }
0x26: {  	[smem:$0x3F9E] =	sst s1;
	(tag) =	ssettag s2;
	_ =	strace s9  }
0x27: {  	s1 =	sld [smem:$0x3FAE]  }
0x28: {  	s2 =	sld [smem:$0x3FAF]  }
0x29: {  	s4 =	sld [smem:$0x3FB1]  }
0x2a: {  	p0 =	seq.s32 s5, $0x0;
	s5 =	sld [smem:$0x3FB2]  }
0x2b: {  	s6 =	sld [smem:$0x3FB3]  }
0x2c: {  	s7 =	sld [smem:$0x3FB4]  }
0x2d: {  	s3 =	simm.s32 $0x108;
	s8 =	sld [smem:$0x3FB5]  }
0x2e: {  	s3 =	simm.s32 @!p0 $0x1082;
	s9 =	sld [smem:$0x3FB6]  }
0x2f: {  	lr =	sadd.s32 s0, s3;
	s0 =	sld [smem:$0x3FAD]  }
0x30: {  	s3 =	sld [smem:$0x3FB0]  }
0x31: {  	[smem:$0x3FB9] =	sst s10  }
0x32: {  	s10 =	sld [smem:$0x3FB7];
	_ =	sdelay $0x3  }
0x33: {  	p0 =	seq.s32 s10, $0x1;
	s10 =	sld [smem:$0x3FB9];
	_ =	sdelay $0x3  }
0x34: {  	[smem:$0x3FB9] =	sst s10  }
0x35: {  	s10 =	sld [smem:$0x3FB8];
	_ =	sdelay $0x3  }
0x36: {  	p1 =	seq.s32 s10, $0x1;
	s10 =	sld [smem:$0x3FB9];
	_ =	sdelay $0x3  }
0x37: {  	[smem:$0x3FB9] =	sst s10  }
0x38: {  	s10 =	sld [smem:$0x3FBA]  }
0x39: {  	_ = 	snop;
	(pc) =	sbr.ind lr, $3  }
0x3a: {  	_ = 	snop  }
0x3b: {  	_ = 	snop  }
0x3c: {  	p2 =	seq.s32 s10, $0x1;
	s10 =	sld [smem:$0x3FB9]  }
0x3d: {  	_ =	shalt  }
0x3e: {  	_ =	shalt  }
0x3f: {  	_ =	shalt  }
0x40: {  	_ =	shalt  }
0x41: {  	_ =	shalt  }
0x42: {  	_ =	shalt  }
0x43: {  	_ =	shalt  }
0x44: {  	_ =	shalt  }
0x45: {  	_ =	shalt  }
0x46: {  	_ =	shalt  }
0x47: {  	_ =	shalt  }
0x48: {  	_ =	shalt  }
0x49: {  	_ =	shalt  }
0x4a: {  	_ =	shalt  }
0x4b: {  	_ =	shalt  }
0x4c: {  	_ =	shalt  }
0x4d: {  	_ =	shalt  }
0x4e: {  	_ =	shalt  }
0x4f: {  	_ =	shalt  }
0x50: {  	_ =	shalt  }
0x51: {  	_ =	shalt  }
0x52: {  	_ =	shalt  }
0x53: {  	_ =	shalt  }
0x54: {  	_ =	shalt  }
0x55: {  	_ =	shalt  }
0x56: {  	_ =	shalt  }
0x57: {  	_ =	shalt  }
0x58: {  	_ =	shalt  }
0x59: {  	_ =	shalt  }
0x5a: {  	_ =	shalt  }
0x5b: {  	_ =	shalt  }
0x5c: {  	_ =	shalt  }
0x5d: {  	_ =	shalt  }
0x5e: {  	_ =	shalt  }
0x5f: {  	_ =	shalt  }
0x60: {  	_ =	shalt  }
0x61: {  	_ =	shalt  }
0x62: {  	_ =	shalt  }
0x63: {  	_ =	shalt  }
0x64: {  	_ =	shalt  }
0x65: {  	_ =	shalt  }
0x66: {  	_ =	shalt  }
0x67: {  	_ =	shalt  }
0x68: {  	_ =	shalt  }
0x69: {  	_ =	shalt  }
0x6a: {  	_ =	shalt  }
0x6b: {  	_ =	shalt  }
0x6c: {  	_ =	shalt  }
0x6d: {  	_ =	shalt  }
0x6e: {  	_ =	shalt  }
0x6f: {  	_ =	shalt  }
0x70: {  	_ =	shalt  }
0x71: {  	_ =	shalt  }
0x72: {  	_ =	shalt  }
0x73: {  	_ =	shalt  }
0x74: {  	_ =	shalt  }
0x75: {  	_ =	shalt  }
0x76: {  	_ =	shalt  }
0x77: {  	_ =	shalt  }
0x78: {  	_ =	shalt  }
0x79: {  	_ =	shalt  }
0x7a: {  	_ =	shalt  }
0x7b: {  	_ =	shalt  }
0x7c: {  	_ =	shalt  }
0x7d: {  	_ =	shalt  }
0x7e: {  	_ =	shalt  }
0x7f: {  	_ =	shalt  }
0x80: {  	_ =	shalt  }
0x81: {  	_ =	shalt  }
0x82: {  	_ =	shalt  }
0x83: {  	_ =	shalt  }
0x84: {  	_ =	shalt  }
0x85: {  	_ =	shalt  }
0x86: {  	_ =	shalt  }
0x87: {  	_ =	shalt  }
.Lfunc_end0:
.L_simem_size_0:
called_computation_lowered:
.L_overlay_start_0:
0x88: {  	s2 =	sld [smem:$0x3FD9]  }
0x89: {  	s3 =	sld [smem:$0x3FFE];
	_ =	sdelay $0x1  }
0x8a: {  	s1 =	srdreg.scid  }
0x8b: {  	s0 =	sand.u32 $0x1, s1  }
0x8c: {  	s17 =	sshll.u32 s0, $0xA;
	s2 =	sadd.s32 s3, s2  }
0x8d: {  	s2 =	sadd.s32 s2, s17  }
0x8e: {  	[smem:$0x3FC5] =	sst s2  }
0x8f: {  	_ = 	snop  }
0x90: {  	s2 =	sld [smem:$0x3FC8]  }
0x91: {  	s18 =	sld [smem:$0x3FC7];
	(tm) =	ssettm $0x1  }
0x92: {  	s4 =	sld [smem:$0x3FFB];
	_ =	sdelay $0x3  }
0x93: {  	_ =	strace s4  }
0x94: {  	s4 =	sld [smem:$0x3FFC];
	_ =	sdelay $0x3  }
0x95: {  	_ =	strace s4  }
0x96: {  	s4 =	sld [smem:$0x3FFD];
	_ =	sdelay $0x3  }
0x97: {  	_ =	strace s4  }
0x98: {  	_ =	strace $0x8FFFFFFF  }
0x99: {  	s19 =	sld [smem:$0x3FDB];
	_ =	sdelay $0x1  }
0x9a: {  	s5 =	simm.s32 $_scs_section_size  }
0x9b: {  	s6 =	simm.s32 $_size__tile_overlayer_lowered;
	s7 =	simm.s32 $_tile_overlayer_lowered  }
0x9c: {  	s22 =	simm.s32 $0x1BFF;
	s21 =	sshll.u32 s7, $0x1;
	s4 =	sadd.s32 s5, s19  }
0x9d: {  	s8 =	simm.s32 $0x0;
	s20 =	sshll.u32 s6, $0x1;
	s6 =	sadd.s32 s21, s4  }
0x9e: {  	[timem:s8], [sflag:s22] =	dma.local [hbm:s6], s20  }
0x9f: {  	_ =	swait.ge [sflag:s22], s20  }
0xa0: {  	s5 =	ssub.s32 $0x0, s20;
	[sflag:s22] =	ssyncset.done $0x0  }
0xa1: {  	[sflag:s22] =	ssyncadd.s32 s5;
	_ =	sdelay $0x1  }
0xa2: {  	s23 =	simm.s32 $0x1B8B  }
0xa3: {  	_ =	swait.ge [sflag:s23], $0x1  }
0xa4: {  	[sflag:s23] =	ssyncset.done $0x0  }
0xa5: {  	s25 =	simm.s32 $0x1B8E;
	s24 =	sld [smem:$0x3FFE];
	[sflag:s23] =	ssyncadd.s32 $0xFFFFFFFF  }
0xa6: {  	s26 =	simm.s32 $execute0_lowered;
	[smem:$0x3FD2] =	sst s25  }
0xa7: {  	s6 =	sshll.u32 s26, $0x1;
	_ =	strace $0x80000046;
	[dreg:$0x1] =	wrdreg $0xFFFFFFFF  }
0xa8: {  	s28 =	simm.s32 $_size_execute0_lowered;
	s4 =	sadd.s32 s4, s6;
	[dreg:$0x0] =	wrdreg $0x0  }
0xa9: {  	s6 =	sshll.u32 s28, $0x1;
	[dreg:$0x2] =	wrdreg s4  }
0xaa: {  	[dreg:$0x3] =	wrdreg s6  }
0xab: {  	[dreg:$0x4] =	wrdreg $0xC0  }
0xac: {  	_ =	task [dreg:s8], $0x5FFFF  }
0xad: {  	[dreg:$0x1] =	wrdreg $0xFFFFFFFF  }
0xae: {  	[dreg:$0x0] =	wrdreg $0x60  }
0xaf: {  	[dreg:$0x2] =	wrdreg s2  }
0xb0: {  	[dreg:$0x3] =	wrdreg s18  }
0xb1: {  	[dreg:$0x4] =	wrdreg s24  }
0xb2: {  	[dreg:$0x5] =	wrdreg $0x9  }
0xb3: {  	_ =	task.clear_ibuf [dreg:s8], $0x6FFFF;
	_ =	strace $0x90000046  }
0xb4: {  	s29 =	simm.s32 $0x9;
	_ =	strace $0x80000048  }
0xb5: {  	_ =	swait.ge [sflag:s29], $0x1  }
0xb6: {  	[sflag:s29] =	ssyncadd.s32 $0xFFFFFFFF  }
0xb7: {  	_ =	strace $0x90000048  }
0xb8: {  	_ =	sfence  }
0xb9: {  	s30 =	sld [smem:$0x0];
	_ =	sdelay $0x2  }
0xba: {  	s31 =	sshll.u32 s1, $0xD;
	s1 =	sshrl.u32 s1, $0x2  }
0xbb: {  	s3 =	sand.u32 $0x4000, s31;
	s1 =	sadd.s32 s1, s30  }
0xbc: {  	s0 =	sor.u32 s3, s0;
	s1 =	sshll.u32 s1, $0x11  }
0xbd: {  	s0 =	sor.u32 s1, s0  }
0xbe: {  	s0 =	sadd.s32 $0x8F2B, s0  }
0xbf: {  	[sflag:s0] =	ssyncadd.remote.s32 $0x1  }
0xc0: {  	_ =	sfence.sel $0xFFFF  }
0xc1: {  	[dreg:$0x0] =	wrdreg $0xFFFFFFFF;
	(pc) =	sbr.abs _section_cstart, $3  }
0xc2: {  	[dreg:$0x1] =	wrdreg $0xFFFFFFFF  }
0xc3: {  	_ =	task.clear_ibuf [dreg:s8], $0x2FFFF;
	_ =	strace $0x9FFFFFFF  }
0xc4: {  	(tm) =	ssettm $0x7FFFFFFF  }
0xc5: {  	_ =	shalt  }
tec
execute0_lowered:
.L_overlay_start_1:
0x0: {  	(tag) =	ssettag $0x1  }
0x1: {  	s4 =	rddreg [dreg:$0x0]  }
0x2: {  	s3 =	rddreg [dreg:$0x1];
	s0 =	srdreg.scid  }
0x3: {  	s5 =	rddreg [dreg:$0x2];
	s1 =	stileid.u32;
	s2 =	simm.s32 $0x0  }
0x4: {  	s10 =	simm.s32 $0x1;
	s11 =	simm.s32 $0x400;
	s12 =	simm.s32 $0x20000  }
0x5: {  	s13 =	simm.s32 $0x200;
	s14 =	simm.s32 $0x1F600;
	s6 =	sand.u32 $0x1, s0  }
0x6: {  	s0 =	rddreg [dreg:$0x3];
	s7 =	sshll.u32 s1, $0xA;
	s8 =	sshll.u32 s6, $0x9  }
0x7: {  	[smem:$0x7FF] =	sst s2;
	s6 =	ssub.s32 $0x2, s6;
	s7 =	sor.u32 s8, s7  }
0x8: {  	v0 =	vlaneseq.u32;
	_ =	strace $0x80000047;
	s9 =	sshrl.u32 s6, $0x1;
	s8 =	sshrl.u32 s7, $0x3  }
0x9: {  	v1 =	vor.u32 $0x10, v0;
	s6 =	ssub.s32 s6, s9;
	s4 =	sadd.s32 s4, s7;
	s5 =	sadd.s32 s8, s5  }
0xa: {  	v2 =	vor.u32 $0x20, v0;
	v3 =	vor.u32 $0x30, v0;
	v4 =	vor.u32 $0x40, v0;
	s3 =	sadd.s32 s3, s8;
	s6 =	smax.u32 s6, $0x1;
	s7 =	sadd.s32 $0x80, s4  }
0xb: {  	v5 =	vor.u32 $0x50, v0;
	v6 =	vor.u32 $0x60, v0;
	v7 =	vor.u32 $0x70, v0;
	s8 =	sadd.s32 $0x100, s4;
	s9 =	sadd.s32 $0x180, s4;
	s5 =	sadd.s32 $0xA00, s5  }
.LBB2_1:
0xc: {  	[tilespmem:s2], [sflag:$0x1] =	stream.linear.gather [hbm4b:s3+s2], $0x200, $0x38;
	[tilespmem:$0x1F800] =	vst v63  }
0xd: {  	_ =	swait.ge [sflag:s10], $0x200  }
0xe: {  	[sflag:s10] =	ssyncset.done $0x0  }
0xf: {  	[sflag:s10] =	ssyncadd.s32 $0xFFFFFE00  }
0x10: {  	[tilespmem:s13], [sflag:$0x1] =	stream.strided.gather [hbm4b:s4+s11], $0x1F400, s12, s11, $0x38;
	[tilespmem:$0x1F800] =	vst v63  }
0x11: {  	_ =	swait.ge [sflag:s10], $0x1F400  }
0x12: {  	[sflag:s10] =	ssyncset.done $0x0  }
0x13: {  	[sflag:s10] =	ssyncadd.s32 $0xFFFE0C00  }
0x14: {  	v8 =	vld [tilespmem:$0x0];
	_ =	sdelay $0x4  }
0x15: {  	v8 =	vshll.u32 v8, $0x7  }
0x16: {  	v9 =	vld [tilespmem:$0x10];
	v8 =	vor.u32 v0, v8;
	_ =	sdelay $0x4  }
0x17: {  	v9 =	vshll.u32 v9, $0x7;
	v8 =	vld.idx.msk [tilespmem:v8+s13+$0x0], $0xffff  }
0x18: {  	v10 =	vld [tilespmem:$0x20];
	v9 =	vor.u32 v1, v9;
	_ =	sdelay $0x3  }
0x19: {  	[tilespmem:$0x1F600] =	vst v8  }
0x1a: {  	v14 =	vshll.u32 v10, $0x7;
	v8 =	vld.idx.msk [tilespmem:v9+s13+$0x0], $0xffff  }
0x1b: {  	v15 =	vld [tilespmem:$0x30];
	v9 =	vor.u32 v2, v14;
	_ =	sdelay $0x3  }
0x1c: {  	[tilespmem:$0x1F610] =	vst v8  }
0x1d: {  	v16 =	vshll.u32 v15, $0x7;
	v8 =	vld.idx.msk [tilespmem:v9+s13+$0x0], $0xffff  }
0x1e: {  	v17 =	vld [tilespmem:$0x40];
	v9 =	vor.u32 v3, v16;
	_ =	sdelay $0x3  }
0x1f: {  	[tilespmem:$0x1F620] =	vst v8  }
0x20: {  	v18 =	vshll.u32 v17, $0x7;
	v8 =	vld.idx.msk [tilespmem:v9+s13+$0x0], $0xffff  }
0x21: {  	v19 =	vld [tilespmem:$0x50];
	v9 =	vor.u32 v4, v18;
	_ =	sdelay $0x3  }
0x22: {  	[tilespmem:$0x1F630] =	vst v8  }
0x23: {  	v20 =	vshll.u32 v19, $0x7;
	v8 =	vld.idx.msk [tilespmem:v9+s13+$0x0], $0xffff  }
0x24: {  	v21 =	vld [tilespmem:$0x60];
	v9 =	vor.u32 v5, v20;
	_ =	sdelay $0x3  }
0x25: {  	[tilespmem:$0x1F640] =	vst v8  }
0x26: {  	v22 =	vshll.u32 v21, $0x7;
	v8 =	vld.idx.msk [tilespmem:v9+s13+$0x0], $0xffff  }
0x27: {  	v23 =	vld [tilespmem:$0x70];
	v9 =	vor.u32 v6, v22;
	_ =	sdelay $0x3  }
0x28: {  	[tilespmem:$0x1F650] =	vst v8  }
0x29: {  	v24 =	vshll.u32 v23, $0x7;
	v8 =	vld.idx.msk [tilespmem:v9+s13+$0x0], $0xffff  }
0x2a: {  	v9 =	vor.u32 v7, v24;
	_ =	sdelay $0x3  }
0x2b: {  	[tilespmem:$0x1F660] =	vst v8  }
0x2c: {  	v8 =	vld.idx.msk [tilespmem:v9+s13+$0x0], $0xffff;
	_ =	sdelay $0x4  }
0x2d: {  	[tilespmem:$0x1F670] =	vst v8  }
0x2e: {  	[tilespmem:s13], [sflag:$0x1] =	stream.strided.gather [hbm4b:s7+s11], $0x1F400, s12, s11, $0x38;
	[tilespmem:$0x1F800] =	vst v63  }
0x2f: {  	_ =	swait.ge [sflag:s10], $0x1F400  }
0x30: {  	[sflag:s10] =	ssyncset.done $0x0  }
0x31: {  	[sflag:s10] =	ssyncadd.s32 $0xFFFE0C00  }
0x32: {  	v8 =	vld [tilespmem:$0x80];
	_ =	sdelay $0x4  }
0x33: {  	v8 =	vshll.u32 v8, $0x7  }
0x34: {  	v25 =	vld [tilespmem:$0x90];
	v8 =	vor.u32 v0, v8;
	_ =	sdelay $0x4  }
0x35: {  	v9 =	vshll.u32 v25, $0x7;
	v8 =	vld.idx.msk [tilespmem:v8+s13+$0x0], $0xffff  }
0x36: {  	v26 =	vld [tilespmem:$0xA0];
	v9 =	vor.u32 v1, v9;
	_ =	sdelay $0x3  }
0x37: {  	[tilespmem:$0x1F680] =	vst v8  }
0x38: {  	v27 =	vshll.u32 v26, $0x7;
	v8 =	vld.idx.msk [tilespmem:v9+s13+$0x0], $0xffff  }
0x39: {  	v28 =	vld [tilespmem:$0xB0];
	v9 =	vor.u32 v2, v27;
	_ =	sdelay $0x3  }
0x3a: {  	[tilespmem:$0x1F690] =	vst v8  }
0x3b: {  	v29 =	vshll.u32 v28, $0x7;
	v8 =	vld.idx.msk [tilespmem:v9+s13+$0x0], $0xffff  }
0x3c: {  	v30 =	vld [tilespmem:$0xC0];
	v9 =	vor.u32 v3, v29;
	_ =	sdelay $0x3  }
0x3d: {  	[tilespmem:$0x1F6A0] =	vst v8  }
0x3e: {  	v31 =	vshll.u32 v30, $0x7;
	v8 =	vld.idx.msk [tilespmem:v9+s13+$0x0], $0xffff  }
0x3f: {  	v32 =	vld [tilespmem:$0xD0];
	v9 =	vor.u32 v4, v31;
	_ =	sdelay $0x3  }
0x40: {  	[tilespmem:$0x1F6B0] =	vst v8  }
0x41: {  	v33 =	vshll.u32 v32, $0x7;
	v8 =	vld.idx.msk [tilespmem:v9+s13+$0x0], $0xffff  }
0x42: {  	v34 =	vld [tilespmem:$0xE0];
	v9 =	vor.u32 v5, v33;
	_ =	sdelay $0x3  }
0x43: {  	[tilespmem:$0x1F6C0] =	vst v8  }
0x44: {  	v35 =	vshll.u32 v34, $0x7;
	v8 =	vld.idx.msk [tilespmem:v9+s13+$0x0], $0xffff  }
0x45: {  	v36 =	vld [tilespmem:$0xF0];
	v9 =	vor.u32 v6, v35;
	_ =	sdelay $0x3  }
0x46: {  	[tilespmem:$0x1F6D0] =	vst v8  }
0x47: {  	v37 =	vshll.u32 v36, $0x7;
	v8 =	vld.idx.msk [tilespmem:v9+s13+$0x0], $0xffff  }
0x48: {  	v9 =	vor.u32 v7, v37;
	_ =	sdelay $0x3  }
0x49: {  	[tilespmem:$0x1F6E0] =	vst v8  }
0x4a: {  	v8 =	vld.idx.msk [tilespmem:v9+s13+$0x0], $0xffff;
	_ =	sdelay $0x4  }
0x4b: {  	[tilespmem:$0x1F6F0] =	vst v8  }
0x4c: {  	[tilespmem:s13], [sflag:$0x1] =	stream.strided.gather [hbm4b:s8+s11], $0x1F400, s12, s11, $0x38;
	[tilespmem:$0x1F800] =	vst v63  }
0x4d: {  	_ =	swait.ge [sflag:s10], $0x1F400  }
0x4e: {  	[sflag:s10] =	ssyncset.done $0x0  }
0x4f: {  	[sflag:s10] =	ssyncadd.s32 $0xFFFE0C00  }
0x50: {  	v8 =	vld [tilespmem:$0x100];
	_ =	sdelay $0x4  }
0x51: {  	v8 =	vshll.u32 v8, $0x7  }
0x52: {  	v38 =	vld [tilespmem:$0x110];
	v8 =	vor.u32 v0, v8;
	_ =	sdelay $0x4  }
0x53: {  	v9 =	vshll.u32 v38, $0x7;
	v8 =	vld.idx.msk [tilespmem:v8+s13+$0x0], $0xffff  }
0x54: {  	v39 =	vld [tilespmem:$0x120];
	v9 =	vor.u32 v1, v9;
	_ =	sdelay $0x3  }
0x55: {  	[tilespmem:$0x1F700] =	vst v8  }
0x56: {  	v40 =	vshll.u32 v39, $0x7;
	v8 =	vld.idx.msk [tilespmem:v9+s13+$0x0], $0xffff  }
0x57: {  	v41 =	vld [tilespmem:$0x130];
	v9 =	vor.u32 v2, v40;
	_ =	sdelay $0x3  }
0x58: {  	[tilespmem:$0x1F710] =	vst v8  }
0x59: {  	v42 =	vshll.u32 v41, $0x7;
	v8 =	vld.idx.msk [tilespmem:v9+s13+$0x0], $0xffff  }
0x5a: {  	v43 =	vld [tilespmem:$0x140];
	v9 =	vor.u32 v3, v42;
	_ =	sdelay $0x3  }
0x5b: {  	[tilespmem:$0x1F720] =	vst v8  }
0x5c: {  	v44 =	vshll.u32 v43, $0x7;
	v8 =	vld.idx.msk [tilespmem:v9+s13+$0x0], $0xffff  }
0x5d: {  	v45 =	vld [tilespmem:$0x150];
	v9 =	vor.u32 v4, v44;
	_ =	sdelay $0x3  }
0x5e: {  	[tilespmem:$0x1F730] =	vst v8  }
0x5f: {  	v46 =	vshll.u32 v45, $0x7;
	v8 =	vld.idx.msk [tilespmem:v9+s13+$0x0], $0xffff  }
0x60: {  	v47 =	vld [tilespmem:$0x160];
	v9 =	vor.u32 v5, v46;
	_ =	sdelay $0x3  }
0x61: {  	[tilespmem:$0x1F740] =	vst v8  }
0x62: {  	v48 =	vshll.u32 v47, $0x7;
	v8 =	vld.idx.msk [tilespmem:v9+s13+$0x0], $0xffff  }
0x63: {  	v49 =	vld [tilespmem:$0x170];
	v9 =	vor.u32 v6, v48;
	_ =	sdelay $0x3  }
0x64: {  	[tilespmem:$0x1F750] =	vst v8  }
0x65: {  	v50 =	vshll.u32 v49, $0x7;
	v8 =	vld.idx.msk [tilespmem:v9+s13+$0x0], $0xffff  }
0x66: {  	v9 =	vor.u32 v7, v50;
	_ =	sdelay $0x3  }
0x67: {  	[tilespmem:$0x1F760] =	vst v8  }
0x68: {  	v8 =	vld.idx.msk [tilespmem:v9+s13+$0x0], $0xffff;
	_ =	sdelay $0x4  }
0x69: {  	[tilespmem:$0x1F770] =	vst v8  }
0x6a: {  	[tilespmem:s13], [sflag:$0x1] =	stream.strided.gather [hbm4b:s9+s11], $0x1F400, s12, s11, $0x38;
	[tilespmem:$0x1F800] =	vst v63  }
0x6b: {  	_ =	swait.ge [sflag:s10], $0x1F400  }
0x6c: {  	[sflag:s10] =	ssyncset.done $0x0  }
0x6d: {  	[sflag:s10] =	ssyncadd.s32 $0xFFFE0C00  }
0x6e: {  	v8 =	vld [tilespmem:$0x180];
	_ =	sdelay $0x4  }
0x6f: {  	v8 =	vshll.u32 v8, $0x7  }
0x70: {  	v51 =	vld [tilespmem:$0x190];
	v8 =	vor.u32 v0, v8;
	_ =	sdelay $0x4  }
0x71: {  	v9 =	vshll.u32 v51, $0x7;
	v8 =	vld.idx.msk [tilespmem:v8+s13+$0x0], $0xffff  }
0x72: {  	v52 =	vld [tilespmem:$0x1A0];
	v9 =	vor.u32 v1, v9;
	_ =	sdelay $0x3  }
0x73: {  	[tilespmem:$0x1F780] =	vst v8  }
0x74: {  	v53 =	vshll.u32 v52, $0x7;
	v8 =	vld.idx.msk [tilespmem:v9+s13+$0x0], $0xffff  }
0x75: {  	v54 =	vld [tilespmem:$0x1B0];
	v9 =	vor.u32 v2, v53;
	_ =	sdelay $0x3  }
0x76: {  	[tilespmem:$0x1F790] =	vst v8  }
0x77: {  	v55 =	vshll.u32 v54, $0x7;
	v8 =	vld.idx.msk [tilespmem:v9+s13+$0x0], $0xffff  }
0x78: {  	v56 =	vld [tilespmem:$0x1C0];
	v9 =	vor.u32 v3, v55;
	_ =	sdelay $0x3  }
0x79: {  	[tilespmem:$0x1F7A0] =	vst v8  }
0x7a: {  	v57 =	vshll.u32 v56, $0x7;
	v8 =	vld.idx.msk [tilespmem:v9+s13+$0x0], $0xffff  }
0x7b: {  	v58 =	vld [tilespmem:$0x1D0];
	v9 =	vor.u32 v4, v57;
	_ =	sdelay $0x3  }
0x7c: {  	[tilespmem:$0x1F7B0] =	vst v8  }
0x7d: {  	v59 =	vshll.u32 v58, $0x7;
	v8 =	vld.idx.msk [tilespmem:v9+s13+$0x0], $0xffff  }
0x7e: {  	v60 =	vld [tilespmem:$0x1E0];
	v9 =	vor.u32 v5, v59;
	_ =	sdelay $0x3  }
0x7f: {  	[tilespmem:$0x1F7C0] =	vst v8  }
0x80: {  	v61 =	vshll.u32 v60, $0x7;
	v8 =	vld.idx.msk [tilespmem:v9+s13+$0x0], $0xffff  }
0x81: {  	v62 =	vld [tilespmem:$0x1F0];
	v9 =	vor.u32 v6, v61;
	_ =	sdelay $0x3  }
0x82: {  	[tilespmem:$0x1F7D0] =	vst v8  }
0x83: {  	v63 =	vshll.u32 v62, $0x7;
	v8 =	vld.idx.msk [tilespmem:v9+s13+$0x0], $0xffff  }
0x84: {  	v9 =	vor.u32 v7, v63;
	_ =	sdelay $0x3  }
0x85: {  	[tilespmem:$0x1F7E0] =	vst v8  }
0x86: {  	v8 =	vld.idx.msk [tilespmem:v9+s13+$0x0], $0xffff;
	_ =	sdelay $0x3  }
0x87: {  	p0 =	sne.s32 s6, $0x1  }
.Ltmp0:
0x88: {  	[tilespmem:$0x1F7F0] =	vst v8;
	(pc) =	sbr.rel @p0 .LBB2_1-.Ltmp0, $4  }
0x89: {  	[hbm4b:s5+s2] =	stream.linear.scatter [tilespmem:s14], [sflag:$0x1], $0x200, $0x38;
	[tilespmem:$0x1F800] =	vst v63  }
0x8a: {  	_ =	swait.ge [sflag:s10], $0x200  }
0x8b: {  	[sflag:s10] =	ssyncset.done $0x0  }
0x8c: {  	s6 =	sadd.s32 $0xFFFFFFFF, s6;
	[sflag:s10] =	ssyncadd.s32 $0xFFFFFE00  }
0x8d: {  	_ =	sfence.sel $0x180000  }
0x8e: {  	[bflag:$0x0] =	sbarrier.arrive $0xFFFF  }
0x8f: {  	p0 =	sne.s32 s1, $0x0;
	_ =	strace $0x90000047  }
0x90: {  	s0 =	sadd.s32 @!p0 $0x100000, s0;
	[bflag:$0x2] =	sbarrier.arrive $0xFFFF  }
0x91: {  	[sflag:s0] =	ssyncadd.tile.s32 @!p0 $0x1;
	_ =	shalt  }
.Lfunc_end2:
_tile_overlayer_lowered:
.L_overlay_start_2:
0x92: {  	(tag) =	ssettag $0x2  }
0x93: {  	s0 =	rddreg [dreg:$0x0];
	s2 =	stileid.u32  }
0x94: {  	s1 =	rddreg [dreg:$0x1];
	p0 =	sne.s32 s2, $0x0  }
0x95: {  	s3 =	rddreg [dreg:$0x2];
	[bflag:$0x3] =	sbarrier.arrive $0xFFFF;
	s2 =	simm.s32 @!p0 $0x1C01  }
0x96: {  	[timem:s3], [sflag:s2] =	dma.local @!p0 [hbm:s0], s1  }
0x97: {  	s0 =	simm.s32 @!p0 $0x1  }
0x98: {  	_ =	swait.ge @!p0 [sflag:s0], s1  }
0x99: {  	s1 =	ssub.s32 @!p0 $0x0, s1;
	[sflag:s0] =	ssyncset.done @!p0 $0x0  }
0x9a: {  	[sflag:s0] =	ssyncadd.s32 @!p0 s1  }
0x9b: {  	[bflag:$0x3] =	sbarrier.arrive $0xFFFF  }
0x9c: {  	_ =	shalt  }

</sc_bundles>
